<compile_context>
chip_gen: v7x
topology: tpu7x:2x2x1
jax: 0.10.2.dev20260603
libtpu: 0.0.44.dev20260713+nightly
codegen_flags: <defaults>
</compile_context>

<pallas_src>
import functools

import jax
import jax.numpy as jnp
from jax import lax
from jax.experimental import pallas as pl
from jax.experimental.pallas import tpu as pltpu
from jax.experimental.pallas import tpu_sc as plsc

NX = 24
NY = 24
P = NX * NY
E = 768
B = 64
LANES = 16
UNROLL = 8


def _pos_sc_kernel(row_hbm, col_hbm, pos_hbm, row_v, col_v, out_v):
    wid = lax.axis_index("s") * 2 + lax.axis_index("c")

    @pl.when(wid < NX)
    def _():
        pltpu.sync_copy(row_hbm.at[wid, :], row_v)
        pltpu.sync_copy(col_hbm, col_v)

        def one_row(c, _):
            @plsc.parallel_loop(0, E, LANES, unroll=UNROLL)
            def chunk(j):
                out_v[c, pl.ds(j, LANES)] = (
                    row_v[pl.ds(j, LANES)] + col_v[c, pl.ds(j, LANES)]
                )

            return 0

        lax.fori_loop(0, NY, one_row, 0)
        pltpu.sync_copy(out_v, pos_hbm.at[pl.ds(NY * wid, NY), :])


def _add_tc_kernel(x_ref, p_ref, o_ref):
    o_ref[...] = x_ref[...] + p_ref[...][None, :, :]


@jax.jit
def _run(x, rows, cols):
    mesh = plsc.VectorSubcoreMesh(core_axis_name="c", subcore_axis_name="s")
    pos = pl.kernel(
        _pos_sc_kernel,
        mesh=mesh,
        out_type=jax.ShapeDtypeStruct((P, E), jnp.float32),
        scratch_types=[
            pltpu.VMEM((E,), jnp.float32),
            pltpu.VMEM((NY, E), jnp.float32),
            pltpu.VMEM((NY, E), jnp.float32),
        ],
    )(rows, cols)

    return pl.pallas_call(
        _add_tc_kernel,
        grid=(B // 4,),
        in_specs=[
            pl.BlockSpec((4, P, E), lambda b: (b, 0, 0)),
            pl.BlockSpec((P, E), lambda b: (0, 0)),
        ],
        out_specs=pl.BlockSpec((4, P, E), lambda b: (b, 0, 0)),
        out_shape=jax.ShapeDtypeStruct((B, P, E), jnp.float32),
        compiler_params=pltpu.CompilerParams(
            dimension_semantics=("arbitrary",),
        ),
    )(x, pos)


def kernel(x, row_embed, col_embed):
    return _run(x, row_embed, col_embed)

# --- scband reference (transcript-rebuilt; emitter-appended) ---
"""Pipeline reference for scband-learned-positional-encoding2-d-66383014527505 (READ-ONLY COPY).

The authoritative reference and input builder live on the scoring server;
editing this copy changes nothing except your own understanding.
"""

import jax, jax.numpy as jnp
import numpy as np

NUM_PATCHES_X = 24
NUM_PATCHES_Y = 24
EMB_SIZE = 768
BATCH = 64


def setup_inputs(seed: int = 0) -> dict:
    key = jax.random.key(seed)
    k1, k2, k3 = jax.random.split(key, 3)
    x = jax.random.normal(k1, (BATCH, NUM_PATCHES_X * NUM_PATCHES_Y, EMB_SIZE), dtype=jnp.float32)
    row_embed = jax.random.normal(k2, (NUM_PATCHES_X, EMB_SIZE), dtype=jnp.float32)
    col_embed = jax.random.normal(k3, (NUM_PATCHES_Y, EMB_SIZE), dtype=jnp.float32)
    return {"x": x, "row_embed": row_embed, "col_embed": col_embed}


def reference(x, row_embed, col_embed):
    # rows: [0,0,...,0,1,1,...]; cols: [0,1,...,Ny-1,0,1,...]
    rows = jnp.repeat(jnp.arange(NUM_PATCHES_X), NUM_PATCHES_Y)
    cols = jnp.tile(jnp.arange(NUM_PATCHES_Y), NUM_PATCHES_X)
    pos_emb = jnp.take(row_embed, rows, axis=0) + jnp.take(col_embed, cols, axis=0)
    pos_emb = pos_emb[None, :, :]
    # dropout is identity in eval mode
    return x + pos_emb

if __name__ == "__main__":
    import jax
    _d = setup_inputs()
    print(jax.jit(kernel)(*tuple(_d.values())))

</pallas_src>

<mosaic_0001>
#map = affine_map<(d0, d1) -> (0, 0)>
module attributes {stable_mosaic.version = 14 : i64} {
  func.func @_pos_sc_kernel(%arg0: i32, %arg1: i32, %arg2: memref<24x768xf32, #tpu.memory_space<hbm>>, %arg3: memref<24x768xf32, #tpu.memory_space<hbm>>, %arg4: memref<576x768xf32, #tpu.memory_space<hbm>>, %arg5: memref<768xf32, #tpu.memory_space<vmem>>, %arg6: memref<24x768xf32, #tpu.memory_space<vmem>>, %arg7: memref<24x768xf32, #tpu.memory_space<vmem>>) attributes {dimension_semantics = [#tpu.dimension_semantics<core_parallel>, #tpu.dimension_semantics<subcore_parallel>], iteration_bounds = array<i64: 2, 16>, scalar_prefetch = 0 : i64, scratch_operands = 3 : i64, tpu.core_type = #tpu.core_type<sc_vector_subcore>, window_params = [{transform_indices = #map}, {transform_indices = #map}, {transform_indices = #map}]} {
    %mul3A = arith.constant 2 : i32
    %mul3A_0 = arith.muli %arg1, %mul3A : i32
    %add3A = arith.addi %mul3A_0, %arg0 : i32
    %lt3A = arith.constant 24 : i32
    %lt3A_1 = arith.cmpi slt, %add3A, %lt3A : i32
    %convert_element_type3A = arith.extui %lt3A_1 : i1 to i32
    %cond3A = arith.constant 0 : i32
    %cond3A_2 = arith.cmpi ne, %convert_element_type3A, %cond3A : i32
    scf.if %cond3A_2 {
      "tpu.region"() ({
        %run_scoped3A = tpu.sem_alloc : memref<!tpu.dma_semaphore, #tpu.memory_space<semaphore_mem>>
        %dma_start3A = arith.constant 0 : i32
        %dma_start3A_11 = tpu.memref_slice %arg2[%add3A, %dma_start3A] : memref<24x768xf32, #tpu.memory_space<hbm>> -> memref<1x768xf32, #tpu.memory_space<hbm>>
        %dma_start3A_12 = tpu.memref_squeeze %dma_start3A_11 : memref<1x768xf32, #tpu.memory_space<hbm>> -> memref<768xf32, #tpu.memory_space<hbm>>
        %dma_start3A_13 = arith.constant 0 : i32
        %dma_start3A_14 = tpu.memref_slice %arg2[%add3A, %dma_start3A_13] : memref<24x768xf32, #tpu.memory_space<hbm>> -> memref<1x768xf32, #tpu.memory_space<hbm>>
        %dma_start3A_15 = tpu.memref_squeeze %dma_start3A_14 : memref<1x768xf32, #tpu.memory_space<hbm>> -> memref<768xf32, #tpu.memory_space<hbm>>
        tpu.enqueue_dma source(%dma_start3A_15 : memref<768xf32, #tpu.memory_space<hbm>>) target(%arg5 : memref<768xf32, #tpu.memory_space<vmem>>) target_semaphore(%run_scoped3A : memref<!tpu.dma_semaphore, #tpu.memory_space<semaphore_mem>>)
        %dma_wait3A = arith.constant 0 : i32
        %dma_wait3A_16 = tpu.memref_slice %arg2[%add3A, %dma_wait3A] : memref<24x768xf32, #tpu.memory_space<hbm>> -> memref<1x768xf32, #tpu.memory_space<hbm>>
        %dma_wait3A_17 = tpu.memref_squeeze %dma_wait3A_16 : memref<1x768xf32, #tpu.memory_space<hbm>> -> memref<768xf32, #tpu.memory_space<hbm>>
        %dma_wait3A_18 = arith.constant 0 : i32
        %dma_wait3A_19 = tpu.memref_slice %arg2[%add3A, %dma_wait3A_18] : memref<24x768xf32, #tpu.memory_space<hbm>> -> memref<1x768xf32, #tpu.memory_space<hbm>>
        %dma_wait3A_20 = tpu.memref_squeeze %dma_wait3A_19 : memref<1x768xf32, #tpu.memory_space<hbm>> -> memref<768xf32, #tpu.memory_space<hbm>>
        tpu.wait_dma2 semaphore(%run_scoped3A : memref<!tpu.dma_semaphore, #tpu.memory_space<semaphore_mem>>) src(%dma_wait3A_20 : memref<768xf32, #tpu.memory_space<hbm>>) dst(%arg5 : memref<768xf32, #tpu.memory_space<vmem>>)
        tpu.yield
      }) : () -> ()
      "tpu.region"() ({
        %run_scoped3A = tpu.sem_alloc : memref<!tpu.dma_semaphore, #tpu.memory_space<semaphore_mem>>
        tpu.enqueue_dma source(%arg3 : memref<24x768xf32, #tpu.memory_space<hbm>>) target(%arg6 : memref<24x768xf32, #tpu.memory_space<vmem>>) target_semaphore(%run_scoped3A : memref<!tpu.dma_semaphore, #tpu.memory_space<semaphore_mem>>)
        tpu.wait_dma2 semaphore(%run_scoped3A : memref<!tpu.dma_semaphore, #tpu.memory_space<semaphore_mem>>) src(%arg3 : memref<24x768xf32, #tpu.memory_space<hbm>>) dst(%arg6 : memref<24x768xf32, #tpu.memory_space<vmem>>)
        tpu.yield
      }) : () -> ()
      %scan3A = arith.constant 0 : i32
      %scan3A_3 = arith.constant 0 : i32
      %scan3A_4 = arith.constant 24 : i32
      %scan3A_5 = arith.addi %scan3A_3, %scan3A_4 : i32
      %scan3A_6 = arith.constant 1 : i32
      %scan3A_7 = scf.for %scan3A_11 = %scan3A_3 to %scan3A_5 step %scan3A_6 iter_args(%scan3A_12 = %scan3A) -> (i32)  : i32 {
        %parallel_loop3A = arith.constant 0 : i32
        %parallel_loop3A_13 = arith.constant 768 : i32
        %parallel_loop3A_14 = arith.constant 16 : i32
        scf.for %parallel_loop3A_16 = %parallel_loop3A to %parallel_loop3A_13 step %parallel_loop3A_14  : i32 {
          %parallel_loop3A_17 = arith.index_cast %parallel_loop3A_16 : i32 to index
          %parallel_loop3A_18 = tpu.vector_load %arg5[%parallel_loop3A_17] {strides = array<i32>} : memref<768xf32, #tpu.memory_space<vmem>>, vector<16xf32>,
          %parallel_loop3A_19 = vector.shape_cast %parallel_loop3A_18 : vector<16xf32> to vector<16xf32>
          %parallel_loop3A_20 = arith.index_cast %scan3A_11 : i32 to index
          %parallel_loop3A_21 = arith.index_cast %parallel_loop3A_16 : i32 to index
          %parallel_loop3A_22 = tpu.vector_load %arg6[%parallel_loop3A_20, %parallel_loop3A_21] {strides = array<i32>} : memref<24x768xf32, #tpu.memory_space<vmem>>, vector<1x16xf32>,
          %parallel_loop3A_23 = vector.shape_cast %parallel_loop3A_22 : vector<1x16xf32> to vector<16xf32>
          %parallel_loop3A_24 = arith.addf %parallel_loop3A_19, %parallel_loop3A_23 : vector<16xf32>
          %parallel_loop3A_25 = arith.index_cast %scan3A_11 : i32 to index
          %parallel_loop3A_26 = arith.index_cast %parallel_loop3A_16 : i32 to index
          %parallel_loop3A_27 = tpu.vector_load %arg7[%parallel_loop3A_25, %parallel_loop3A_26] {strides = array<i32>} : memref<24x768xf32, #tpu.memory_space<vmem>>, vector<1x16xf32>,
          %parallel_loop3A_28 = vector.shape_cast %parallel_loop3A_27 : vector<1x16xf32> to vector<16xf32>
          %parallel_loop3A_29 = vector.shape_cast %parallel_loop3A_24 : vector<16xf32> to vector<1x16xf32>
          tpu.vector_store %arg7[%parallel_loop3A_25, %parallel_loop3A_26], %parallel_loop3A_29 {strides = array<i32>} : memref<24x768xf32, #tpu.memory_space<vmem>>, vector<1x16xf32>,
        } {sc.loop_unroll_factor = 8 : i64, sc.parallel_access}
        %scan3A_15 = arith.constant 0 : i32
        scf.yield %scan3A_15 : i32
      }
      %scan3A_8 = arith.constant 24 : i32
      %mul3A_9 = arith.constant 24 : i32
      %mul3A_10 = arith.muli %mul3A_9, %add3A : i32
      "tpu.region"() ({
        %run_scoped3A = tpu.sem_alloc : memref<!tpu.dma_semaphore, #tpu.memory_space<semaphore_mem>>
        %dma_start3A = arith.constant 0 : i32
        %dma_start3A_11 = tpu.memref_slice %arg4[%mul3A_10, %dma_start3A] : memref<576x768xf32, #tpu.memory_space<hbm>> -> memref<24x768xf32, #tpu.memory_space<hbm>>
        %dma_start3A_12 = arith.constant 0 : i32
        %dma_start3A_13 = tpu.memref_slice %arg4[%mul3A_10, %dma_start3A_12] : memref<576x768xf32, #tpu.memory_space<hbm>> -> memref<24x768xf32, #tpu.memory_space<hbm>>
        tpu.enqueue_dma source(%arg7 : memref<24x768xf32, #tpu.memory_space<vmem>>) target(%dma_start3A_13 : memref<24x768xf32, #tpu.memory_space<hbm>>) target_semaphore(%run_scoped3A : memref<!tpu.dma_semaphore, #tpu.memory_space<semaphore_mem>>)
        %dma_wait3A = arith.constant 0 : i32
        %dma_wait3A_14 = tpu.memref_slice %arg4[%mul3A_10, %dma_wait3A] : memref<576x768xf32, #tpu.memory_space<hbm>> -> memref<24x768xf32, #tpu.memory_space<hbm>>
        %dma_wait3A_15 = arith.constant 0 : i32
        %dma_wait3A_16 = tpu.memref_slice %arg4[%mul3A_10, %dma_wait3A_15] : memref<576x768xf32, #tpu.memory_space<hbm>> -> memref<24x768xf32, #tpu.memory_space<hbm>>
        tpu.wait_dma2 semaphore(%run_scoped3A : memref<!tpu.dma_semaphore, #tpu.memory_space<semaphore_mem>>) src(%arg7 : memref<24x768xf32, #tpu.memory_space<vmem>>) dst(%dma_wait3A_16 : memref<24x768xf32, #tpu.memory_space<hbm>>)
        tpu.yield
      }) : () -> ()
    } else {
    }
    return
  }
}

module attributes {stable_mosaic.version = 14 : i64} {
  func.func @_add_tc_kernel(%arg0: i32, %arg1: memref<4x576x768xf32, #tpu.memory_space<vmem>>, %arg2: memref<576x768xf32, #tpu.memory_space<vmem>>, %arg3: memref<4x576x768xf32, #tpu.memory_space<vmem>>) attributes {dimension_semantics = [#tpu.dimension_semantics<arbitrary>], iteration_bounds = array<i64: 16>, scalar_prefetch = 0 : i64, scratch_operands = 0 : i64, tpu.core_type = #tpu.core_type<tc>, window_params = [{transform_indices = @transform_0, window_bounds = array<i64: 4, 576, 768>}, {pipeline_mode = #tpu.pipeline_mode<synchronous>, transform_indices = @transform_1, window_bounds = array<i64: 576, 768>}, {transform_indices = @transform_2, window_bounds = array<i64: 4, 576, 768>}]} {
    %get3A = arith.constant 0 : index
    %get3A_0 = arith.constant 0 : index
    %get3A_1 = arith.constant 0 : index
    %get3A_2 = vector.load %arg1[%get3A, %get3A_0, %get3A_1] : memref<4x576x768xf32, #tpu.memory_space<vmem>>, vector<4x576x768xf32>
    %get3A_3 = arith.constant 0 : index
    %get3A_4 = arith.constant 0 : index
    %get3A_5 = vector.load %arg2[%get3A_3, %get3A_4] : memref<576x768xf32, #tpu.memory_space<vmem>>, vector<576x768xf32>
    %broadcast_in_dim3A = vector.shape_cast %get3A_5 : vector<576x768xf32> to vector<1x576x768xf32>
    %add3A = vector.broadcast %broadcast_in_dim3A : vector<1x576x768xf32> to vector<4x576x768xf32>
    %add3A_6 = arith.addf %get3A_2, %add3A : vector<4x576x768xf32>
    %swap3A = arith.constant 0 : index
    %swap3A_7 = arith.constant 0 : index
    %swap3A_8 = arith.constant 0 : index
    %swap3A_9 = vector.load %arg3[%swap3A, %swap3A_7, %swap3A_8] : memref<4x576x768xf32, #tpu.memory_space<vmem>>, vector<4x576x768xf32>
    tpu.vector_store %arg3[%swap3A, %swap3A_7, %swap3A_8], %add3A_6 {strides = array<i32>} : memref<4x576x768xf32, #tpu.memory_space<vmem>>, vector<4x576x768xf32>,
    return
  }
  func.func @transform_0(%arg0: i32) -> (i32, i32, i32) {
    %c0_i32 = arith.constant 0 : i32
    %c0_i32_0 = arith.constant 0 : i32
    %c0_i32_1 = arith.constant 0 : i32
    return %arg0, %c0_i32, %c0_i32_0 : i32, i32, i32
  }
  func.func @transform_1(%arg0: i32) -> (i32, i32) {
    %c0_i32 = arith.constant 0 : i32
    %c0_i32_0 = arith.constant 0 : i32
    %c0_i32_1 = arith.constant 0 : i32
    return %c0_i32, %c0_i32_0 : i32, i32
  }
  func.func @transform_2(%arg0: i32) -> (i32, i32, i32) {
    %c0_i32 = arith.constant 0 : i32
    %c0_i32_0 = arith.constant 0 : i32
    %c0_i32_1 = arith.constant 0 : i32
    return %arg0, %c0_i32, %c0_i32_0 : i32, i32, i32
  }
}

</mosaic_0001>

<sc_bundles>
// kernel: _run.4.cloned.1.call-start
scs
__scs_entry_jumppad:
0x0: {  	(pc) =	sbr.rel $0x88, $3  }
0x1: {  	(tag) =	ssettag $0x0;
	lr =	simm.s32 $0x1  }
0x2: {  	[smem:$0x3F9E] =	sst lr;
	_ =	strace $0xD0000000  }
0x3: {  	_ = 	snop  }
0x4: {  	_ = 	snop  }
0x5: {  	_ = 	snop  }
0x6: {  	_ = 	snop  }
0x7: {  	_ = 	snop  }
__scs_overlays_trampoline_lowered:
0x8: {  	[smem:$0x3FAD] =	sst s0  }
0x9: {  	[smem:$0x3FAE] =	sst s1  }
0xa: {  	[smem:$0x3FAF] =	sst s2  }
0xb: {  	[smem:$0x3FB0] =	sst s3  }
0xc: {  	[smem:$0x3FB1] =	sst s4  }
0xd: {  	[smem:$0x3FB2] =	sst s5  }
0xe: {  	[smem:$0x3FB3] =	sst s6  }
0xf: {  	[smem:$0x3FB4] =	sst s7  }
0x10: {  	[smem:$0x3FB5] =	sst s8  }
0x11: {  	[smem:$0x3FB6] =	sst s9;
	s0 =	simm.s32 @!p0 $0x0  }
0x12: {  	s1 =	sld [smem:$0x3F9C];
	s0 =	simm.s32 @p0 $0x1  }
0x13: {  	[smem:$0x3FB7] =	sst s0;
	s0 =	simm.s32 @!p1 $0x0  }
0x14: {  	s2 =	sld [smem:$0x3F9B];
	s0 =	simm.s32 @p1 $0x1  }
0x15: {  	[smem:$0x3FB8] =	sst s0;
	s0 =	simm.s32 @!p2 $0x0  }
0x16: {  	s3 =	sld [smem:$0x3FDB];
	s0 =	simm.s32 @p2 $0x1  }
0x17: {  	s4 =	simm.s32 $0x1BF5;
	[smem:$0x3FBA] =	sst s0  }
0x18: {  	s0 =	sld [smem:$0x3F9D];
	_ =	swait.ge [sflag:s4], $0x0  }
0x19: {  	s7 =	sld [smem:$0x3F9E]  }
0x1a: {  	s8 =	sadd.s32 $0xFFFFE003, lr  }
0x1b: {  	s9 =	sadd.s32 $0xFFFFFEF7, lr;
	s5 =	simm.s32 $0xFFFFFFFF;
	p2 =	slt.u32 s8, $0xFFFFF086  }
0x1c: {  	p1 =	slt.u32 s9, $0xF7A;
	s5 =	simm.s32 @!p2 $0x0  }
0x1d: {  	s5 =	simm.s32 @p1 $0x1;
	p0 =	seq.s32 s7, s2  }
0x1e: {  	s7 =	smul.u32 @!p0 $0xF7A, s2;
	p2 =	seq.s32 @!p0 s5, $0x0  }
0x1f: {  	s9 =	smul.u32 $0xF7A, s1;
	s8 =	simm.s32 @!p0 $0x1BF5;
	p2 =	por !p2, p0  }
0x20: {  	[sflag:s8] =	ssyncset.s32 @!p0 $0xFFFFF086;
	s6 =	sadd.s32 @!p0 s3, s7;
	s7 =	simm.s32 @!p0 $0x108  }
0x21: {  	s3 =	sadd.s32 s3, s9;
	s6 =	sadd.s32 @!p0 $0x88, s6;
	s7 =	simm.s32 @p2 $0x1082  }
0x22: {  	[simem:s7], [sflag:s8] =	dma.local @!p0 [hbm:s6], $0xF7A  }
0x23: {  	s9 =	sor.u32 $0xD0000000, s2;
	s6 =	simm.s32 $0x108;
	_ =	swait.ge @!p0 [sflag:s8], $0x0  }
0x24: {  	s3 =	sadd.s32 $0x88, s3;
	s6 =	simm.s32 @!p1 $0x1082;
	[sflag:s4] =	ssyncset.s32 $0xFFFFF086  }
0x25: {  	[simem:s6], [sflag:s4] =	dma.local [hbm:s3], $0xF7A  }
0x26: {  	[smem:$0x3F9E] =	sst s1;
	(tag) =	ssettag s2;
	_ =	strace s9  }
0x27: {  	s1 =	sld [smem:$0x3FAE]  }
0x28: {  	s2 =	sld [smem:$0x3FAF]  }
0x29: {  	s4 =	sld [smem:$0x3FB1]  }
0x2a: {  	p0 =	seq.s32 s5, $0x0;
	s5 =	sld [smem:$0x3FB2]  }
0x2b: {  	s6 =	sld [smem:$0x3FB3]  }
0x2c: {  	s7 =	sld [smem:$0x3FB4]  }
0x2d: {  	s3 =	simm.s32 $0x108;
	s8 =	sld [smem:$0x3FB5]  }
0x2e: {  	s3 =	simm.s32 @!p0 $0x1082;
	s9 =	sld [smem:$0x3FB6]  }
0x2f: {  	lr =	sadd.s32 s0, s3;
	s0 =	sld [smem:$0x3FAD]  }
0x30: {  	s3 =	sld [smem:$0x3FB0]  }
0x31: {  	[smem:$0x3FB9] =	sst s10  }
0x32: {  	s10 =	sld [smem:$0x3FB7];
	_ =	sdelay $0x3  }
0x33: {  	p0 =	seq.s32 s10, $0x1;
	s10 =	sld [smem:$0x3FB9];
	_ =	sdelay $0x3  }
0x34: {  	[smem:$0x3FB9] =	sst s10  }
0x35: {  	s10 =	sld [smem:$0x3FB8];
	_ =	sdelay $0x3  }
0x36: {  	p1 =	seq.s32 s10, $0x1;
	s10 =	sld [smem:$0x3FB9];
	_ =	sdelay $0x3  }
0x37: {  	[smem:$0x3FB9] =	sst s10  }
0x38: {  	s10 =	sld [smem:$0x3FBA]  }
0x39: {  	_ = 	snop;
	(pc) =	sbr.ind lr, $3  }
0x3a: {  	_ = 	snop  }
0x3b: {  	_ = 	snop  }
0x3c: {  	p2 =	seq.s32 s10, $0x1;
	s10 =	sld [smem:$0x3FB9]  }
0x3d: {  	_ =	shalt  }
0x3e: {  	_ =	shalt  }
0x3f: {  	_ =	shalt  }
0x40: {  	_ =	shalt  }
0x41: {  	_ =	shalt  }
0x42: {  	_ =	shalt  }
0x43: {  	_ =	shalt  }
0x44: {  	_ =	shalt  }
0x45: {  	_ =	shalt  }
0x46: {  	_ =	shalt  }
0x47: {  	_ =	shalt  }
0x48: {  	_ =	shalt  }
0x49: {  	_ =	shalt  }
0x4a: {  	_ =	shalt  }
0x4b: {  	_ =	shalt  }
0x4c: {  	_ =	shalt  }
0x4d: {  	_ =	shalt  }
0x4e: {  	_ =	shalt  }
0x4f: {  	_ =	shalt  }
0x50: {  	_ =	shalt  }
0x51: {  	_ =	shalt  }
0x52: {  	_ =	shalt  }
0x53: {  	_ =	shalt  }
0x54: {  	_ =	shalt  }
0x55: {  	_ =	shalt  }
0x56: {  	_ =	shalt  }
0x57: {  	_ =	shalt  }
0x58: {  	_ =	shalt  }
0x59: {  	_ =	shalt  }
0x5a: {  	_ =	shalt  }
0x5b: {  	_ =	shalt  }
0x5c: {  	_ =	shalt  }
0x5d: {  	_ =	shalt  }
0x5e: {  	_ =	shalt  }
0x5f: {  	_ =	shalt  }
0x60: {  	_ =	shalt  }
0x61: {  	_ =	shalt  }
0x62: {  	_ =	shalt  }
0x63: {  	_ =	shalt  }
0x64: {  	_ =	shalt  }
0x65: {  	_ =	shalt  }
0x66: {  	_ =	shalt  }
0x67: {  	_ =	shalt  }
0x68: {  	_ =	shalt  }
0x69: {  	_ =	shalt  }
0x6a: {  	_ =	shalt  }
0x6b: {  	_ =	shalt  }
0x6c: {  	_ =	shalt  }
0x6d: {  	_ =	shalt  }
0x6e: {  	_ =	shalt  }
0x6f: {  	_ =	shalt  }
0x70: {  	_ =	shalt  }
0x71: {  	_ =	shalt  }
0x72: {  	_ =	shalt  }
0x73: {  	_ =	shalt  }
0x74: {  	_ =	shalt  }
0x75: {  	_ =	shalt  }
0x76: {  	_ =	shalt  }
0x77: {  	_ =	shalt  }
0x78: {  	_ =	shalt  }
0x79: {  	_ =	shalt  }
0x7a: {  	_ =	shalt  }
0x7b: {  	_ =	shalt  }
0x7c: {  	_ =	shalt  }
0x7d: {  	_ =	shalt  }
0x7e: {  	_ =	shalt  }
0x7f: {  	_ =	shalt  }
0x80: {  	_ =	shalt  }
0x81: {  	_ =	shalt  }
0x82: {  	_ =	shalt  }
0x83: {  	_ =	shalt  }
0x84: {  	_ =	shalt  }
0x85: {  	_ =	shalt  }
0x86: {  	_ =	shalt  }
0x87: {  	_ =	shalt  }
.Lfunc_end0:
.L_simem_size_0:
called_computation_lowered:
.L_overlay_start_0:
0x88: {  	s2 =	sld [smem:$0x3FD9]  }
0x89: {  	s3 =	sld [smem:$0x3FFE];
	_ =	sdelay $0x1  }
0x8a: {  	s1 =	srdreg.scid  }
0x8b: {  	s0 =	sand.u32 $0x1, s1  }
0x8c: {  	s18 =	sshll.u32 s0, $0xA;
	s2 =	sadd.s32 s3, s2  }
0x8d: {  	s2 =	sadd.s32 s2, s18  }
0x8e: {  	[smem:$0x3FC5] =	sst s2  }
0x8f: {  	_ = 	snop  }
0x90: {  	s2 =	sld [smem:$0x3FC8]  }
0x91: {  	s19 =	sld [smem:$0x3FC7]  }
0x92: {  	s4 =	sld [smem:$0x3FD0];
	(tm) =	ssettm $0x1  }
0x93: {  	s5 =	sld [smem:$0x3FFB];
	_ =	sdelay $0x3  }
0x94: {  	_ =	strace s5  }
0x95: {  	s5 =	sld [smem:$0x3FFC];
	_ =	sdelay $0x3  }
0x96: {  	_ =	strace s5  }
0x97: {  	s5 =	sld [smem:$0x3FFD];
	_ =	sdelay $0x3  }
0x98: {  	_ =	strace s5  }
0x99: {  	_ =	strace $0x8FFFFFFF  }
0x9a: {  	s20 =	sld [smem:$0x3FDB];
	_ =	sdelay $0x1  }
0x9b: {  	s6 =	simm.s32 $_scs_section_size  }
0x9c: {  	s7 =	simm.s32 $_size__tile_overlayer_lowered;
	s8 =	simm.s32 $_tile_overlayer_lowered  }
0x9d: {  	s23 =	simm.s32 $0x1BFF;
	s22 =	sshll.u32 s8, $0x1;
	s5 =	sadd.s32 s6, s20  }
0x9e: {  	s9 =	simm.s32 $0x0;
	s21 =	sshll.u32 s7, $0x1;
	s7 =	sadd.s32 s22, s5  }
0x9f: {  	[timem:s9], [sflag:s23] =	dma.local [hbm:s7], s21  }
0xa0: {  	_ =	swait.ge [sflag:s23], s21  }
0xa1: {  	s6 =	ssub.s32 $0x0, s21;
	[sflag:s23] =	ssyncset.done $0x0  }
0xa2: {  	[sflag:s23] =	ssyncadd.s32 s6;
	_ =	sdelay $0x1  }
0xa3: {  	s24 =	simm.s32 $0x1B8B  }
0xa4: {  	_ =	swait.ge [sflag:s24], $0x1  }
0xa5: {  	[sflag:s24] =	ssyncset.done $0x0  }
0xa6: {  	s25 =	simm.s32 $0x1B8E;
	[sflag:s24] =	ssyncadd.s32 $0xFFFFFFFF  }
0xa7: {  	s26 =	simm.s32 $execute0_lowered;
	[smem:$0x3FD2] =	sst s25  }
0xa8: {  	s6 =	sshll.u32 s26, $0x1;
	_ =	strace $0x80000046;
	[dreg:$0x1] =	wrdreg $0xFFFFFFFF  }
0xa9: {  	s28 =	simm.s32 $_size_execute0_lowered;
	s5 =	sadd.s32 s5, s6;
	[dreg:$0x0] =	wrdreg $0x0  }
0xaa: {  	s6 =	sshll.u32 s28, $0x1;
	[dreg:$0x2] =	wrdreg s5  }
0xab: {  	[dreg:$0x3] =	wrdreg s6  }
0xac: {  	[dreg:$0x4] =	wrdreg $0xC0  }
0xad: {  	_ =	task [dreg:s9], $0x5FFFF  }
0xae: {  	[dreg:$0x1] =	wrdreg $0xFFFFFFFF  }
0xaf: {  	[dreg:$0x0] =	wrdreg $0x60  }
0xb0: {  	[dreg:$0x2] =	wrdreg s2  }
0xb1: {  	[dreg:$0x3] =	wrdreg s19  }
0xb2: {  	[dreg:$0x4] =	wrdreg s4  }
0xb3: {  	[dreg:$0x5] =	wrdreg $0x9  }
0xb4: {  	_ =	task.clear_ibuf [dreg:s9], $0x6FFFF;
	_ =	strace $0x90000046  }
0xb5: {  	s29 =	simm.s32 $0x9;
	_ =	strace $0x80000048  }
0xb6: {  	_ =	swait.ge [sflag:s29], $0x1  }
0xb7: {  	[sflag:s29] =	ssyncadd.s32 $0xFFFFFFFF  }
0xb8: {  	_ =	strace $0x90000048  }
0xb9: {  	_ =	sfence  }
0xba: {  	s30 =	sld [smem:$0x0];
	_ =	sdelay $0x2  }
0xbb: {  	s31 =	sshll.u32 s1, $0xD;
	s1 =	sshrl.u32 s1, $0x2  }
0xbc: {  	s3 =	sand.u32 $0x4000, s31;
	s1 =	sadd.s32 s1, s30  }
0xbd: {  	s0 =	sor.u32 s3, s0;
	s1 =	sshll.u32 s1, $0x11  }
0xbe: {  	s0 =	sor.u32 s1, s0  }
0xbf: {  	s0 =	sadd.s32 $0x8F2B, s0  }
0xc0: {  	[sflag:s0] =	ssyncadd.remote.s32 $0x1  }
0xc1: {  	_ =	sfence.sel $0xFFFF  }
0xc2: {  	[dreg:$0x0] =	wrdreg $0xFFFFFFFF;
	(pc) =	sbr.abs _section_cstart, $3  }
0xc3: {  	[dreg:$0x1] =	wrdreg $0xFFFFFFFF  }
0xc4: {  	_ =	task.clear_ibuf [dreg:s9], $0x2FFFF;
	_ =	strace $0x9FFFFFFF  }
0xc5: {  	(tm) =	ssettm $0x7FFFFFFF  }
tec
execute0_lowered:
.L_overlay_start_1:
0x0: {  	(tag) =	ssettag $0x1  }
0x1: {  	s1 =	stileid.u32  }
0x2: {  	p0 =	sgt.u32 s1, $0xB  }
.Ltmp0:
0x3: {  	s5 =	rddreg [dreg:$0x0];
	(pc) =	sbr.rel @p0 .LBB2_7-.Ltmp0, $4  }
0x4: {  	s2 =	rddreg [dreg:$0x1]  }
0x5: {  	s4 =	rddreg [dreg:$0x2];
	s3 =	simm.s32 $0x0  }
0x6: {  	[smem:$0x7FF] =	sst s3  }
0x7: {  	s0 =	rddreg [dreg:$0x3];
	_ =	strace $0x80000047  }
0x8: {  	s6 =	srdreg.scid;
	s7 =	sshll.u32 s1, $0x1  }
0x9: {  	s8 =	sshrl.u32 s1, $0x2;
	s11 =	simm.s32 $0x4B00;
	s6 =	sand.u32 $0x1, s6  }
0xa: {  	s8 =	smul.u32 $0x1800, s8;
	s7 =	sor.u32 s6, s7;
	s6 =	ssub.s32 $0x2, s6  }
0xb: {  	s9 =	sshll.u32 s7, $0x7;
	s7 =	smul.u32 $0x900, s7;
	s10 =	sshrl.u32 s6, $0x1  }
0xc: {  	s12 =	simm.s32 $0x0;
	s9 =	sand.u32 $0x380, s9;
	s6 =	ssub.s32 s6, s10  }
0xd: {  	s10 =	simm.s32 $0x300;
	s8 =	sor.u32 s8, s9;
	s4 =	sadd.s32 s4, s7  }
0xe: {  	s6 =	smax.u32 s6, $0x1;
	s7 =	simm.s32 $0x80;
	s8 =	sshrl.u32 s8, $0x3  }
0xf: {  	s9 =	simm.s32 $0x1;
	s5 =	sadd.s32 s5, s8;
	s8 =	simm.s32 $0x400  }
.LBB2_2:
0x10: {  	s13 =	simm.s32 $0x0  }
0x11: {  	[tilespmem:s13], [sflag:$0x1] =	stream.strided.gather [hbm4b:s5+s7], $0x300, s8, s7, $0x38;
	[tilespmem:$0x9300] =	vst v63  }
0x12: {  	_ =	swait.ge [sflag:s9], $0x300  }
0x13: {  	[sflag:s9] =	ssyncset.done $0x0  }
0x14: {  	[sflag:s9] =	ssyncadd.s32 $0xFFFFFD00  }
0x15: {  	[tilespmem:s10], [sflag:$0x1] =	stream.linear.gather [hbm4b:s2+s13], $0x4800, $0x38;
	[tilespmem:$0x9300] =	vst v63  }
0x16: {  	_ =	swait.ge [sflag:s9], $0x4800  }
0x17: {  	[sflag:s9] =	ssyncset.done $0x0  }
0x18: {  	s14 =	simm.s32 $0x0;
	[sflag:s9] =	ssyncadd.s32 $0xFFFFB800  }
.LBB2_3:
0x19: {  	s15 =	sshrl.u32 s14, $0x3;
	s18 =	simm.s32 $0x40  }
0x1a: {  	s16 =	sand.u32 $0x7, s13;
	s15 =	smul.u32 $0x6000, s15;
	v1 =	vld [tilespmem:s18+$0x30]  }
0x1b: {  	s16 =	sshll.u32 s16, $0x9;
	v3 =	vld [tilespmem:s18+$0xFFFFFFD0]  }
0x1c: {  	v5 =	vld [tilespmem:s18+$0xFFFFFFE0];
	s15 =	sor.u32 s16, s15  }
0x1d: {  	v7 =	vld [tilespmem:s18+$0xFFFFFFF0];
	s16 =	sshra.s32 s15, $0x2  }
0x1e: {  	v9 =	vld [tilespmem:s18+$0x0];
	s15 =	sadd.s32 $0x340, s16  }
0x1f: {  	v2 =	vld [tilespmem:s15+$0x30]  }
0x20: {  	v4 =	vld [tilespmem:s15+$0xFFFFFFD0]  }
0x21: {  	v6 =	vld [tilespmem:s15+$0xFFFFFFE0]  }
0x22: {  	v8 =	vld [tilespmem:s15+$0xFFFFFFF0]  }
0x23: {  	v0 =	vld [tilespmem:s15+$0xFFFFFFC0]  }
0x24: {  	v10 =	vld [tilespmem:s15+$0x0];
	v2 =	vadd.f32 v2, v1  }
0x25: {  	s16 =	sadd.s32 $0x4B40, s16;
	v4 =	vadd.f32 v4, v3;
	v1 =	vld [tilespmem:s18+$0x10]  }
0x26: {  	v5 =	vadd.f32 v6, v5;
	v3 =	vld [tilespmem:s15+$0x10];
	[tilespmem:s16+$0x30] =	vst v2  }
0x27: {  	v6 =	vadd.f32 v8, v7;
	[tilespmem:s16+$0xFFFFFFD0] =	vst v4;
	v2 =	vld [tilespmem:s18+$0x20]  }
0x28: {  	[tilespmem:s16+$0xFFFFFFE0] =	vst v5;
	v5 =	vld [tilespmem:s15+$0x20]  }
0x29: {  	s17 =	simm.s32 $0x0;
	v4 =	vld [tilespmem:s18+$0xFFFFFFC0];
	[tilespmem:s16+$0xFFFFFFF0] =	vst v6;
	v6 =	vadd.f32 v10, v9;
	s18 =	simm.s32 $0xC0  }
.LBB2_4:
0x2a: {  	v7 =	vld [tilespmem:s18+$0x30];
	s15 =	sadd.s32 $0x400, s15  }
0x2b: {  	s17 =	sadd.s32 $0x80, s17;
	v8 =	vld [tilespmem:s15+$0x30];
	[tilespmem:s16+$0x0] =	vst v6;
	v1 =	vadd.f32 v3, v1  }
0x2c: {  	p0 =	slt.u32 s17, $0x280;
	v3 =	vld [tilespmem:s15+$0xFFFFFFC0]  }
0x2d: {  	v6 =	vld [tilespmem:s18+$0xFFFFFFD0];
	[tilespmem:s16+$0x10] =	vst v1;
	v1 =	vadd.f32 v5, v2  }
0x2e: {  	v2 =	vld [tilespmem:s15+$0xFFFFFFD0];
	v9 =	vadd.f32 v0, v4  }
0x2f: {  	v4 =	vld [tilespmem:s18+$0xFFFFFFE0];
	[tilespmem:s16+$0x20] =	vst v1  }
0x30: {  	v1 =	vld [tilespmem:s15+$0xFFFFFFE0];
	v5 =	vadd.f32 v8, v7;
	[tilespmem:s16+$0xFFFFFFC0] =	vst v9  }
0x31: {  	s16 =	sadd.s32 $0x400, s16;
	v7 =	vld [tilespmem:s18+$0xFFFFFFF0];
	v0 =	vmov v3  }
0x32: {  	v8 =	vld [tilespmem:s15+$0xFFFFFFF0];
	[tilespmem:s16+$0x30] =	vst v5  }
0x33: {  	v2 =	vadd.f32 v2, v6;
	v6 =	vld [tilespmem:s18+$0x0]  }
0x34: {  	v9 =	vld [tilespmem:s15+$0x0]  }
.Ltmp1:
0x35: {  	[tilespmem:s16+$0xFFFFFFD0] =	vst v2;
	v2 =	vadd.f32 v1, v4;
	v1 =	vld [tilespmem:s18+$0x10];
	(pc) =	sbr.rel @p0 .LBB2_4-.Ltmp1, $4  }
0x36: {  	v3 =	vld [tilespmem:s15+$0x10]  }
0x37: {  	[tilespmem:s16+$0xFFFFFFE0] =	vst v2;
	v7 =	vadd.f32 v8, v7;
	v2 =	vld [tilespmem:s18+$0x20]  }
0x38: {  	v5 =	vld [tilespmem:s15+$0x20]  }
0x39: {  	v4 =	vld [tilespmem:s18+$0xFFFFFFC0];
	[tilespmem:s16+$0xFFFFFFF0] =	vst v7;
	v6 =	vadd.f32 v9, v6;
	s18 =	sadd.s32 $0x80, s18  }
0x3a: {  	s14 =	sadd.s32 $0x1, s14  }
0x3b: {  	p0 =	sne.s32 s14, $0x18  }
.Ltmp2:
0x3c: {  	v1 =	vadd.f32 v3, v1;
	(pc) =	sbr.rel @p0 .LBB2_3-.Ltmp2, $4  }
0x3d: {  	[tilespmem:s16+$0x0] =	vst v6;
	v2 =	vadd.f32 v5, v2  }
0x3e: {  	[tilespmem:s16+$0x10] =	vst v1;
	v0 =	vadd.f32 v0, v4  }
0x3f: {  	[tilespmem:s16+$0x20] =	vst v2  }
0x40: {  	s13 =	sadd.s32 $0x1, s13;
	[tilespmem:s16+$0xFFFFFFC0] =	vst v0  }
0x41: {  	s12 =	sadd.s32 $0x1, s12  }
0x42: {  	p0 =	sne.s32 s12, s6  }
.Ltmp3:
0x43: {  	_ = 	snop;
	(pc) =	sbr.rel @p0 .LBB2_2-.Ltmp3, $4  }
0x44: {  	[hbm4b:s4+s3] =	stream.linear.scatter [tilespmem:s11], [sflag:$0x1], $0x4800, $0x38;
	[tilespmem:$0x9300] =	vst v63  }
0x45: {  	_ =	swait.ge [sflag:s9], $0x4800  }
0x46: {  	[sflag:s9] =	ssyncset.done $0x0  }
0x47: {  	[sflag:s9] =	ssyncadd.s32 $0xFFFFB800  }
.LBB2_7:
0x48: {  	_ =	sfence.sel $0x180000  }
0x49: {  	[bflag:$0x0] =	sbarrier.arrive $0xFFFF  }
0x4a: {  	p0 =	sne.s32 s1, $0x0;
	_ =	strace $0x90000047  }
0x4b: {  	s0 =	sadd.s32 @!p0 $0x100000, s0;
	[bflag:$0x2] =	sbarrier.arrive $0xFFFF  }
0x4c: {  	[sflag:s0] =	ssyncadd.tile.s32 @!p0 $0x1;
	_ =	shalt  }
.Lfunc_end2:
_tile_overlayer_lowered:
.L_overlay_start_2:
0x4d: {  	(tag) =	ssettag $0x2  }
0x4e: {  	s0 =	rddreg [dreg:$0x0];
	s2 =	stileid.u32  }
0x4f: {  	s1 =	rddreg [dreg:$0x1];
	p0 =	sne.s32 s2, $0x0  }
0x50: {  	s3 =	rddreg [dreg:$0x2];
	[bflag:$0x3] =	sbarrier.arrive $0xFFFF;
	s2 =	simm.s32 @!p0 $0x1C01  }
0x51: {  	[timem:s3], [sflag:s2] =	dma.local @!p0 [hbm:s0], s1  }
0x52: {  	s0 =	simm.s32 @!p0 $0x1  }
0x53: {  	_ =	swait.ge @!p0 [sflag:s0], s1  }
0x54: {  	s1 =	ssub.s32 @!p0 $0x0, s1;
	[sflag:s0] =	ssyncset.done @!p0 $0x0  }
0x55: {  	[sflag:s0] =	ssyncadd.s32 @!p0 s1  }
0x56: {  	[bflag:$0x3] =	sbarrier.arrive $0xFFFF  }
0x57: {  	_ =	shalt  }

</sc_bundles>
